<compile_context>
chip_gen: v7x
topology: tpu7x:2x2x1
jax: 0.10.2.dev20260603
libtpu: 0.0.44.dev20260713+nightly
codegen_flags: <defaults>
</compile_context>

<pallas_src>
import jax
import jax.numpy as jnp
from jax import lax
from jax.experimental import pallas as pl
from jax.experimental.pallas import tpu as pltpu
from jax.experimental.pallas import tpu_sc as plsc

_LANES = 16


def _make_pool(batch, ctx, voc, emb):
    info = plsc.get_sparse_core_info()
    nw = info.num_cores * info.num_subcores
    b_per_w = batch // nw
    idx_per_w = b_per_w * ctx
    nc = info.num_cores
    scale = jnp.float32(1.0 / ctx)

    def body(idx_hbm, table_hbm, out_hbm, idx_v, rows_v, pooled_v, sem):
        wid = lax.axis_index("s") * nc + lax.axis_index("c")
        ibase = wid * idx_per_w
        bbase = wid * b_per_w
        pltpu.sync_copy(idx_hbm.at[pl.ds(ibase, idx_per_w)], idx_v)
        pltpu.async_copy(table_hbm.at[idx_v], rows_v, sem).wait()

        def row_body(b, carry):
            def ctx_body(c, accs):
                a0, a1 = accs
                r = b * ctx + c
                return (a0 + rows_v[r, 0:_LANES],
                        a1 + rows_v[r, _LANES:2 * _LANES])

            a0, a1 = lax.fori_loop(
                0, ctx, ctx_body,
                (jnp.zeros((_LANES,), jnp.float32),
                 jnp.zeros((_LANES,), jnp.float32)))
            pooled_v[b, 0:_LANES] = a0 * scale
            pooled_v[b, _LANES:2 * _LANES] = a1 * scale
            return carry

        lax.fori_loop(0, b_per_w, row_body, 0)
        pltpu.sync_copy(pooled_v, out_hbm.at[pl.ds(bbase, b_per_w)])

    return pl.kernel(
        body,
        mesh=plsc.VectorSubcoreMesh(core_axis_name="c", subcore_axis_name="s"),
        compiler_params=pltpu.CompilerParams(use_tc_tiling_on_sc=False),
        out_type=jax.ShapeDtypeStruct((batch, emb), jnp.float32),
        scratch_types=[
            pltpu.VMEM((idx_per_w,), jnp.int32),
            pltpu.VMEM((idx_per_w, emb), jnp.float32),
            pltpu.VMEM((b_per_w, emb), jnp.float32),
            pltpu.SemaphoreType.DMA,
        ],
    )


def _make_main_body(vblk, nstep, nbuf, tail_rows):

    def body(pt_ref, wt_ref, o_hbm, obuf, sems):
        i = pl.program_id(0)
        slot = lax.rem(i, nbuf)

        @pl.when(i >= nbuf)
        def _wait_prev():
            pltpu.make_async_copy(
                obuf.at[slot],
                o_hbm.at[pl.ds((i - nbuf) * vblk, vblk)],
                sems.at[slot]).wait()

        obuf[slot] = lax.dot_general(
            wt_ref[...], pt_ref[...], (((0,), (0,)), ((), ())),
            preferred_element_type=jnp.float32)

        @pl.when(i < nstep - 1)
        def _fire():
            pltpu.make_async_copy(
                obuf.at[slot],
                o_hbm.at[pl.ds(i * vblk, vblk)],
                sems.at[slot]).start()

        @pl.when(i == nstep - 1)
        def _fire_tail_and_drain():
            last = tail_rows
            pltpu.make_async_copy(
                obuf.at[slot, 0:last],
                o_hbm.at[pl.ds((nstep - 1) * vblk, last)],
                sems.at[slot]).start()
            for d in range(nbuf - 1, 0, -1):
                j = i - d
                sj = lax.rem(j, nbuf)
                pltpu.make_async_copy(
                    obuf.at[sj],
                    o_hbm.at[pl.ds(j * vblk, vblk)],
                    sems.at[sj]).wait()
            pltpu.make_async_copy(
                obuf.at[slot, 0:last],
                o_hbm.at[pl.ds((nstep - 1) * vblk, last)],
                sems.at[slot]).wait()

    return body


def _project(pooled, lin_w, lin_b, vblk, nbuf):
    batch, emb = pooled.shape
    voc = lin_w.shape[0]
    nstep = pl.cdiv(voc, vblk)
    tail_rows = voc - (nstep - 1) * vblk
    assert vblk % 128 == 0 and tail_rows % 8 == 0
    w_aug = jnp.concatenate([lin_w.T, lin_b[None, :]], axis=0)
    pt_aug = jnp.concatenate(
        [pooled.T, jnp.ones((1, batch), jnp.float32)], axis=0)
    out_t = pl.pallas_call(
        _make_main_body(vblk, nstep, nbuf, tail_rows),
        grid=(nstep,),
        in_specs=[
            pl.BlockSpec((emb + 1, batch), lambda i: (0, 0)),
            pl.BlockSpec((emb + 1, vblk), lambda i: (0, i)),
        ],
        out_specs=pl.BlockSpec(memory_space=pl.ANY),
        out_shape=jax.ShapeDtypeStruct((voc, batch), jnp.float32),
        scratch_shapes=[
            pltpu.VMEM((nbuf, vblk, batch), jnp.float32),
            pltpu.SemaphoreType.DMA((nbuf,)),
        ],
        compiler_params=pltpu.CompilerParams(
            vmem_limit_bytes=100 * 1024 * 1024,
            dimension_semantics=("arbitrary",),
        ),
    )(pt_aug, w_aug)
    return out_t.T


def kernel(inpt, emb_table, lin_w, lin_b):
    batch, ctx = inpt.shape
    voc, emb = emb_table.shape
    idx = inpt.astype(jnp.int32).reshape(-1)
    pooled = _make_pool(batch, ctx, voc, emb)(idx, emb_table)
    return _project(pooled, lin_w, lin_b, vblk=4096, nbuf=3)

# --- scband reference (transcript-rebuilt; emitter-appended) ---
"""Pipeline reference for scband-cbow-4509715661215 (READ-ONLY COPY).

The authoritative reference and input builder live on the scoring server;
editing this copy changes nothing except your own understanding.
"""

import jax, jax.numpy as jnp
import numpy as np

VOC = 100000
EMB = 32
BATCH = 1024
CTX = 50

def setup_inputs(seed: int = 0) -> dict:
    key = jax.random.key(seed)
    k1, k2, k3, k4 = jax.random.split(key, 4)
    inpt = jax.random.randint(k1, (BATCH, CTX), 0, VOC, dtype=jnp.int64)
    # Embedding table: nn.Embedding default init N(0,1)
    emb_table = jax.random.normal(k2, (VOC, EMB), dtype=jnp.float32)
    # Linear layer: kaiming-uniform-ish bound = 1/sqrt(in_features)
    bound = 1.0 / np.sqrt(EMB)
    lin_w = jax.random.uniform(k3, (VOC, EMB), dtype=jnp.float32, minval=-bound, maxval=bound)
    lin_b = jax.random.uniform(k4, (VOC,), dtype=jnp.float32, minval=-bound, maxval=bound)
    return {"inpt": inpt, "emb_table": emb_table, "lin_w": lin_w, "lin_b": lin_b}

def reference(inpt, emb_table, lin_w, lin_b):
    # emb = self.embeddings(inpt)  -> gather rows
    emb = jnp.take(emb_table, inpt, axis=0)  # [B, CTX, EMB]
    # emb = emb.mean(dim=1)
    pooled = jnp.mean(emb, axis=1)  # [B, EMB]
    # out = self.linear(pooled)
    out = pooled @ lin_w.T + lin_b  # [B, VOC]
    return out

if __name__ == "__main__":
    import jax
    _d = setup_inputs()
    print(jax.jit(kernel)(*tuple(_d.values())))

</pallas_src>

<mosaic_0001>
#map = affine_map<(d0, d1) -> (0)>
#map1 = affine_map<(d0, d1) -> (0, 0)>
module attributes {stable_mosaic.version = 14 : i64} {
  func.func @_rewritten_body(%arg0: i32, %arg1: i32, %arg2: memref<51200xi32, #tpu.memory_space<hbm>>, %arg3: memref<100000x32xf32, #tpu.memory_space<hbm>>, %arg4: memref<1xf32, #tpu.memory_space<hbm>>, %arg5: memref<1024x32xf32, #tpu.memory_space<hbm>>, %arg6: memref<1600xi32, #tpu.memory_space<vmem>>, %arg7: memref<1600x32xf32, #tpu.memory_space<vmem>>, %arg8: memref<32x32xf32, #tpu.memory_space<vmem>>, %arg9: memref<!tpu.dma_semaphore, #tpu.memory_space<semaphore_mem>>) attributes {dimension_semantics = [#tpu.dimension_semantics<core_parallel>, #tpu.dimension_semantics<subcore_parallel>], iteration_bounds = array<i64: 2, 16>, scalar_prefetch = 0 : i64, scratch_operands = 4 : i64, tpu.core_type = #tpu.core_type<sc_vector_subcore>, window_params = [{transform_indices = #map}, {transform_indices = #map1}, {transform_indices = #map}, {transform_indices = #map1}]} {
    %empty_ref3A = memref.alloca() : memref<16xf32, #tpu.memory_space<vmem>>
    "tpu.region"() ({
      %run_scoped3A = tpu.sem_alloc : memref<!tpu.dma_semaphore, #tpu.memory_space<semaphore_mem>>
      %dma_start3A_16 = arith.constant 0 : i32
      %dma_start3A_17 = tpu.memref_slice %empty_ref3A[%dma_start3A_16] : memref<16xf32, #tpu.memory_space<vmem>> -> memref<1xf32, #tpu.memory_space<vmem>>
      %dma_start3A_18 = arith.constant 0 : i32
      %dma_start3A_19 = tpu.memref_slice %empty_ref3A[%dma_start3A_18] : memref<16xf32, #tpu.memory_space<vmem>> -> memref<1xf32, #tpu.memory_space<vmem>>
      tpu.enqueue_dma source(%arg4 : memref<1xf32, #tpu.memory_space<hbm>>) target(%dma_start3A_19 : memref<1xf32, #tpu.memory_space<vmem>>) target_semaphore(%run_scoped3A : memref<!tpu.dma_semaphore, #tpu.memory_space<semaphore_mem>>)
      %dma_wait3A_20 = arith.constant 0 : i32
      %dma_wait3A_21 = tpu.memref_slice %empty_ref3A[%dma_wait3A_20] : memref<16xf32, #tpu.memory_space<vmem>> -> memref<1xf32, #tpu.memory_space<vmem>>
      %dma_wait3A_22 = arith.constant 0 : i32
      %dma_wait3A_23 = tpu.memref_slice %empty_ref3A[%dma_wait3A_22] : memref<16xf32, #tpu.memory_space<vmem>> -> memref<1xf32, #tpu.memory_space<vmem>>
      tpu.wait_dma2 semaphore(%run_scoped3A : memref<!tpu.dma_semaphore, #tpu.memory_space<semaphore_mem>>) src(%arg4 : memref<1xf32, #tpu.memory_space<hbm>>) dst(%dma_wait3A_23 : memref<1xf32, #tpu.memory_space<vmem>>)
      tpu.yield
    }) : () -> ()
    %get3A = arith.constant 0 : index
    %get3A_0 = tpu.vector_load %empty_ref3A[%get3A] {strides = array<i32>} : memref<16xf32, #tpu.memory_space<vmem>>, vector<16xf32>,
    %get3A_1 = vector.shape_cast %get3A_0 : vector<16xf32> to vector<16xf32>
    %slice3A = vector.extract_strided_slice %get3A_1 {offsets = [0], sizes = [1], strides = [1]} : vector<16xf32> to vector<1xf32>
    %squeeze3A = vector.extract %slice3A[0] : f32 from vector<1xf32>
    %mul3A = arith.constant 2 : i32
    %mul3A_2 = arith.muli %arg1, %mul3A : i32
    %add3A = arith.addi %mul3A_2, %arg0 : i32
    %mul3A_3 = arith.constant 1600 : i32
    %mul3A_4 = arith.muli %add3A, %mul3A_3 : i32
    %mul3A_5 = arith.constant 32 : i32
    %mul3A_6 = arith.muli %add3A, %mul3A_5 : i32
    "tpu.region"() ({
      %run_scoped3A = tpu.sem_alloc : memref<!tpu.dma_semaphore, #tpu.memory_space<semaphore_mem>>
      %dma_start3A_16 = tpu.memref_slice %arg2[%mul3A_4] : memref<51200xi32, #tpu.memory_space<hbm>> -> memref<1600xi32, #tpu.memory_space<hbm>>
      %dma_start3A_17 = tpu.memref_slice %arg2[%mul3A_4] : memref<51200xi32, #tpu.memory_space<hbm>> -> memref<1600xi32, #tpu.memory_space<hbm>>
      tpu.enqueue_dma source(%dma_start3A_17 : memref<1600xi32, #tpu.memory_space<hbm>>) target(%arg6 : memref<1600xi32, #tpu.memory_space<vmem>>) target_semaphore(%run_scoped3A : memref<!tpu.dma_semaphore, #tpu.memory_space<semaphore_mem>>)
      %dma_wait3A_18 = tpu.memref_slice %arg2[%mul3A_4] : memref<51200xi32, #tpu.memory_space<hbm>> -> memref<1600xi32, #tpu.memory_space<hbm>>
      %dma_wait3A_19 = tpu.memref_slice %arg2[%mul3A_4] : memref<51200xi32, #tpu.memory_space<hbm>> -> memref<1600xi32, #tpu.memory_space<hbm>>
      tpu.wait_dma2 semaphore(%run_scoped3A : memref<!tpu.dma_semaphore, #tpu.memory_space<semaphore_mem>>) src(%dma_wait3A_19 : memref<1600xi32, #tpu.memory_space<hbm>>) dst(%arg6 : memref<1600xi32, #tpu.memory_space<vmem>>)
      tpu.yield
    }) : () -> ()
    %dma_start3A = arith.constant 0 : i32
    %dma_start3A_7 = arith.constant 0 : i32
    %dma_start3A_8 = tpu.memref_slice %arg3[%dma_start3A, %dma_start3A_7] : memref<100000x32xf32, #tpu.memory_space<hbm>> -> memref<100000x32xf32, #tpu.memory_space<hbm>>
    tpu.enqueue_indirect_dma source(%dma_start3A_8 : memref<100000x32xf32, #tpu.memory_space<hbm>>) target(%arg7 : memref<1600x32xf32, #tpu.memory_space<vmem>>) offsets(%arg6 : memref<1600xi32, #tpu.memory_space<vmem>>) semaphore(%arg9 : memref<!tpu.dma_semaphore, #tpu.memory_space<semaphore_mem>>)
    %dma_wait3A = arith.constant 0 : i32
    %dma_wait3A_9 = arith.constant 0 : i32
    %dma_wait3A_10 = tpu.memref_slice %arg3[%dma_wait3A, %dma_wait3A_9] : memref<100000x32xf32, #tpu.memory_space<hbm>> -> memref<100000x32xf32, #tpu.memory_space<hbm>>
    tpu.wait_indirect_dma semaphore(%arg9 : memref<!tpu.dma_semaphore, #tpu.memory_space<semaphore_mem>>) src(%dma_wait3A_10 : memref<100000x32xf32, #tpu.memory_space<hbm>>) dst(%arg7 : memref<1600x32xf32, #tpu.memory_space<vmem>>)
    %scan3A = arith.constant 0 : i32
    %scan3A_11 = arith.constant 0 : i32
    %scan3A_12 = arith.constant 32 : i32
    %scan3A_13 = arith.addi %scan3A_11, %scan3A_12 : i32
    %scan3A_14 = arith.constant 1 : i32
    scf.for %scan3A_16 = %scan3A_11 to %scan3A_13 step %scan3A_14  : i32 {
      %broadcast_in_dim3A = arith.constant 0.000000e+00 : f32
      %broadcast_in_dim3A_17 = vector.broadcast %broadcast_in_dim3A : f32 to vector<16xf32>
      %broadcast_in_dim3A_18 = arith.constant 0.000000e+00 : f32
      %broadcast_in_dim3A_19 = vector.broadcast %broadcast_in_dim3A_18 : f32 to vector<16xf32>
      %scan3A_20 = arith.constant 0 : i32
      %scan3A_21 = arith.constant 50 : i32
      %scan3A_22 = arith.addi %scan3A_20, %scan3A_21 : i32
      %scan3A_23 = arith.constant 1 : i32
      %scan3A_24:2 = scf.for %scan3A_39 = %scan3A_20 to %scan3A_22 step %scan3A_23 iter_args(%scan3A_40 = %broadcast_in_dim3A_17, %scan3A_41 = %broadcast_in_dim3A_19) -> (vector<16xf32>, vector<16xf32>)  : i32 {
        %mul3A_42 = arith.constant 50 : i32
        %mul3A_43 = arith.muli %scan3A_16, %mul3A_42 : i32
        %add3A_44 = arith.addi %mul3A_43, %scan3A_39 : i32
        %get3A_45 = arith.index_cast %add3A_44 : i32 to index
        %get3A_46 = arith.constant 0 : index
        %get3A_47 = tpu.vector_load %arg7[%get3A_45, %get3A_46] {strides = array<i32>} : memref<1600x32xf32, #tpu.memory_space<vmem>>, vector<1x16xf32>,
        %get3A_48 = vector.shape_cast %get3A_47 : vector<1x16xf32> to vector<16xf32>
        %add3A_49 = arith.addf %scan3A_40, %get3A_48 : vector<16xf32>
        %get3A_50 = arith.index_cast %add3A_44 : i32 to index
        %get3A_51 = arith.constant 16 : index
        %get3A_52 = tpu.vector_load %arg7[%get3A_50, %get3A_51] {strides = array<i32>} : memref<1600x32xf32, #tpu.memory_space<vmem>>, vector<1x16xf32>,
        %get3A_53 = vector.shape_cast %get3A_52 : vector<1x16xf32> to vector<16xf32>
        %add3A_54 = arith.addf %scan3A_41, %get3A_53 : vector<16xf32>
        scf.yield %add3A_49, %add3A_54 : vector<16xf32>, vector<16xf32>
      }
      %scan3A_25 = arith.constant 50 : i32
      %mul3A_26 = vector.broadcast %squeeze3A : f32 to vector<16xf32>
      %mul3A_27 = arith.mulf %scan3A_24#0, %mul3A_26 : vector<16xf32>
      %swap3A = arith.index_cast %scan3A_16 : i32 to index
      %swap3A_28 = arith.constant 0 : index
      %swap3A_29 = tpu.vector_load %arg8[%swap3A, %swap3A_28] {strides = array<i32>} : memref<32x32xf32, #tpu.memory_space<vmem>>, vector<1x16xf32>,
      %swap3A_30 = vector.shape_cast %swap3A_29 : vector<1x16xf32> to vector<16xf32>
      %swap3A_31 = vector.shape_cast %mul3A_27 : vector<16xf32> to vector<1x16xf32>
      tpu.vector_store %arg8[%swap3A, %swap3A_28], %swap3A_31 {strides = array<i32>} : memref<32x32xf32, #tpu.memory_space<vmem>>, vector<1x16xf32>,
      %mul3A_32 = vector.broadcast %squeeze3A : f32 to vector<16xf32>
      %mul3A_33 = arith.mulf %scan3A_24#1, %mul3A_32 : vector<16xf32>
      %swap3A_34 = arith.index_cast %scan3A_16 : i32 to index
      %swap3A_35 = arith.constant 16 : index
      %swap3A_36 = tpu.vector_load %arg8[%swap3A_34, %swap3A_35] {strides = array<i32>} : memref<32x32xf32, #tpu.memory_space<vmem>>, vector<1x16xf32>,
      %swap3A_37 = vector.shape_cast %swap3A_36 : vector<1x16xf32> to vector<16xf32>
      %swap3A_38 = vector.shape_cast %mul3A_33 : vector<16xf32> to vector<1x16xf32>
      tpu.vector_store %arg8[%swap3A_34, %swap3A_35], %swap3A_38 {strides = array<i32>} : memref<32x32xf32, #tpu.memory_space<vmem>>, vector<1x16xf32>,
    }
    %scan3A_15 = arith.constant 32 : i32
    "tpu.region"() ({
      %run_scoped3A = tpu.sem_alloc : memref<!tpu.dma_semaphore, #tpu.memory_space<semaphore_mem>>
      %dma_start3A_16 = arith.constant 0 : i32
      %dma_start3A_17 = tpu.memref_slice %arg5[%mul3A_6, %dma_start3A_16] : memref<1024x32xf32, #tpu.memory_space<hbm>> -> memref<32x32xf32, #tpu.memory_space<hbm>>
      %dma_start3A_18 = arith.constant 0 : i32
      %dma_start3A_19 = tpu.memref_slice %arg5[%mul3A_6, %dma_start3A_18] : memref<1024x32xf32, #tpu.memory_space<hbm>> -> memref<32x32xf32, #tpu.memory_space<hbm>>
      tpu.enqueue_dma source(%arg8 : memref<32x32xf32, #tpu.memory_space<vmem>>) target(%dma_start3A_19 : memref<32x32xf32, #tpu.memory_space<hbm>>) target_semaphore(%run_scoped3A : memref<!tpu.dma_semaphore, #tpu.memory_space<semaphore_mem>>)
      %dma_wait3A_20 = arith.constant 0 : i32
      %dma_wait3A_21 = tpu.memref_slice %arg5[%mul3A_6, %dma_wait3A_20] : memref<1024x32xf32, #tpu.memory_space<hbm>> -> memref<32x32xf32, #tpu.memory_space<hbm>>
      %dma_wait3A_22 = arith.constant 0 : i32
      %dma_wait3A_23 = tpu.memref_slice %arg5[%mul3A_6, %dma_wait3A_22] : memref<1024x32xf32, #tpu.memory_space<hbm>> -> memref<32x32xf32, #tpu.memory_space<hbm>>
      tpu.wait_dma2 semaphore(%run_scoped3A : memref<!tpu.dma_semaphore, #tpu.memory_space<semaphore_mem>>) src(%arg8 : memref<32x32xf32, #tpu.memory_space<vmem>>) dst(%dma_wait3A_23 : memref<32x32xf32, #tpu.memory_space<hbm>>)
      tpu.yield
    }) : () -> ()
    return
  }
}

module attributes {stable_mosaic.version = 14 : i64} {
  func.func @body(%arg0: i32, %arg1: memref<33x1024xf32, #tpu.memory_space<vmem>>, %arg2: memref<33x4096xf32, #tpu.memory_space<vmem>>, %arg3: memref<100000x1024xf32, #tpu.memory_space<any>>, %arg4: memref<3x4096x1024xf32, #tpu.memory_space<vmem>>, %arg5: memref<3x!tpu.dma_semaphore, #tpu.memory_space<semaphore_mem>>) attributes {dimension_semantics = [#tpu.dimension_semantics<arbitrary>], iteration_bounds = array<i64: 25>, scalar_prefetch = 0 : i64, scratch_operands = 2 : i64, tpu.core_type = #tpu.core_type<tc>, window_params = [{pipeline_mode = #tpu.pipeline_mode<synchronous>, transform_indices = @transform_0, window_bounds = array<i64: 33, 1024>}, {transform_indices = @transform_1, window_bounds = array<i64: 33, 4096>}, {}]} {
    %rem3A = arith.constant 3 : i32
    %rem3A_0 = arith.remsi %arg0, %rem3A : i32
    %ge3A = arith.constant 3 : i32
    %ge3A_1 = arith.cmpi sge, %arg0, %ge3A : i32
    %convert_element_type3A = arith.extui %ge3A_1 : i1 to i32
    %cond3A = arith.constant 0 : i32
    %cond3A_2 = arith.cmpi ne, %convert_element_type3A, %cond3A : i32
    scf.if %cond3A_2 {
      %sub3A = arith.constant 3 : i32
      %sub3A_22 = arith.subi %arg0, %sub3A : i32
      %mul3A = arith.constant 4096 : i32
      %mul3A_23 = arith.muli %sub3A_22, %mul3A : i32
      %dma_wait3A = tpu.memref_slice %arg5[%rem3A_0] : memref<3x!tpu.dma_semaphore, #tpu.memory_space<semaphore_mem>> -> memref<1x!tpu.dma_semaphore, #tpu.memory_space<semaphore_mem>>
      %dma_wait3A_24 = tpu.memref_squeeze %dma_wait3A : memref<1x!tpu.dma_semaphore, #tpu.memory_space<semaphore_mem>> -> memref<!tpu.dma_semaphore, #tpu.memory_space<semaphore_mem>>
      %dma_wait3A_25 = arith.constant 0 : i32
      %dma_wait3A_26 = tpu.memref_slice %arg3[%mul3A_23, %dma_wait3A_25] : memref<100000x1024xf32, #tpu.memory_space<any>> -> memref<4096x1024xf32, #tpu.memory_space<any>>
      %dma_wait3A_27 = arith.constant 0 : i32
      %dma_wait3A_28 = arith.constant 0 : i32
      %dma_wait3A_29 = tpu.memref_slice %arg4[%rem3A_0, %dma_wait3A_27, %dma_wait3A_28] : memref<3x4096x1024xf32, #tpu.memory_space<vmem>> -> memref<1x4096x1024xf32, #tpu.memory_space<vmem>>
      %dma_wait3A_30 = tpu.memref_squeeze %dma_wait3A_29 : memref<1x4096x1024xf32, #tpu.memory_space<vmem>> -> memref<4096x1024xf32, #tpu.memory_space<vmem>>
      tpu.wait_dma2 semaphore(%dma_wait3A_24 : memref<!tpu.dma_semaphore, #tpu.memory_space<semaphore_mem>>) src(%dma_wait3A_30 : memref<4096x1024xf32, #tpu.memory_space<vmem>>) dst(%dma_wait3A_26 : memref<4096x1024xf32, #tpu.memory_space<any>>)
    } else {
    }
    %get3A = arith.constant 0 : index
    %get3A_3 = arith.constant 0 : index
    %get3A_4 = vector.load %arg2[%get3A, %get3A_3] : memref<33x4096xf32, #tpu.memory_space<vmem>>, vector<33x4096xf32>
    %get3A_5 = arith.constant 0 : index
    %get3A_6 = arith.constant 0 : index
    %get3A_7 = vector.load %arg1[%get3A_5, %get3A_6] : memref<33x1024xf32, #tpu.memory_space<vmem>>, vector<33x1024xf32>
    %dot_general3A = arith.constant dense<0.000000e+00> : vector<4096x1024xf32>
    %dot_general3A_8 = tpu.matmul %get3A_4, %get3A_7, %dot_general3A {dimension_numbers = #tpu.dot_dimension_numbers<[0], [0], [1], [1], [0, 1, 1, 1], [], []>, transpose_lhs_hint = false} : vector<33x4096xf32>, vector<33x1024xf32>, vector<4096x1024xf32> -> vector<4096x1024xf32>
    %swap3A = arith.index_cast %rem3A_0 : i32 to index
    %swap3A_9 = arith.constant 0 : index
    %swap3A_10 = arith.constant 0 : index
    %swap3A_11 = vector.load %arg4[%swap3A, %swap3A_9, %swap3A_10] : memref<3x4096x1024xf32, #tpu.memory_space<vmem>>, vector<1x4096x1024xf32>
    %swap3A_12 = vector.shape_cast %swap3A_11 : vector<1x4096x1024xf32> to vector<4096x1024xf32>
    %swap3A_13 = vector.shape_cast %dot_general3A_8 : vector<4096x1024xf32> to vector<1x4096x1024xf32>
    tpu.vector_store %arg4[%swap3A, %swap3A_9, %swap3A_10], %swap3A_13 {strides = array<i32>} : memref<3x4096x1024xf32, #tpu.memory_space<vmem>>, vector<1x4096x1024xf32>,
    %lt3A = arith.constant 24 : i32
    %lt3A_14 = arith.cmpi slt, %arg0, %lt3A : i32
    %convert_element_type3A_15 = arith.extui %lt3A_14 : i1 to i32
    %cond3A_16 = arith.constant 0 : i32
    %cond3A_17 = arith.cmpi ne, %convert_element_type3A_15, %cond3A_16 : i32
    scf.if %cond3A_17 {
      %mul3A = arith.constant 4096 : i32
      %mul3A_22 = arith.muli %arg0, %mul3A : i32
      %dma_start3A = tpu.memref_slice %arg5[%rem3A_0] : memref<3x!tpu.dma_semaphore, #tpu.memory_space<semaphore_mem>> -> memref<1x!tpu.dma_semaphore, #tpu.memory_space<semaphore_mem>>
      %dma_start3A_23 = tpu.memref_squeeze %dma_start3A : memref<1x!tpu.dma_semaphore, #tpu.memory_space<semaphore_mem>> -> memref<!tpu.dma_semaphore, #tpu.memory_space<semaphore_mem>>
      %dma_start3A_24 = arith.constant 0 : i32
      %dma_start3A_25 = tpu.memref_slice %arg3[%mul3A_22, %dma_start3A_24] : memref<100000x1024xf32, #tpu.memory_space<any>> -> memref<4096x1024xf32, #tpu.memory_space<any>>
      %dma_start3A_26 = arith.constant 0 : i32
      %dma_start3A_27 = arith.constant 0 : i32
      %dma_start3A_28 = tpu.memref_slice %arg4[%rem3A_0, %dma_start3A_26, %dma_start3A_27] : memref<3x4096x1024xf32, #tpu.memory_space<vmem>> -> memref<1x4096x1024xf32, #tpu.memory_space<vmem>>
      %dma_start3A_29 = tpu.memref_squeeze %dma_start3A_28 : memref<1x4096x1024xf32, #tpu.memory_space<vmem>> -> memref<4096x1024xf32, #tpu.memory_space<vmem>>
      tpu.enqueue_dma source(%dma_start3A_29 : memref<4096x1024xf32, #tpu.memory_space<vmem>>) target(%dma_start3A_25 : memref<4096x1024xf32, #tpu.memory_space<any>>) target_semaphore(%dma_start3A_23 : memref<!tpu.dma_semaphore, #tpu.memory_space<semaphore_mem>>)
    } else {
    }
    %eq3A = arith.constant 24 : i32
    %eq3A_18 = arith.cmpi eq, %arg0, %eq3A : i32
    %convert_element_type3A_19 = arith.extui %eq3A_18 : i1 to i32
    %cond3A_20 = arith.constant 0 : i32
    %cond3A_21 = arith.cmpi ne, %convert_element_type3A_19, %cond3A_20 : i32
    scf.if %cond3A_21 {
      %dma_start3A = tpu.memref_slice %arg5[%rem3A_0] : memref<3x!tpu.dma_semaphore, #tpu.memory_space<semaphore_mem>> -> memref<1x!tpu.dma_semaphore, #tpu.memory_space<semaphore_mem>>
      %dma_start3A_22 = tpu.memref_squeeze %dma_start3A : memref<1x!tpu.dma_semaphore, #tpu.memory_space<semaphore_mem>> -> memref<!tpu.dma_semaphore, #tpu.memory_space<semaphore_mem>>
      %dma_start3A_23 = arith.constant 98304 : i32
      %dma_start3A_24 = arith.constant 0 : i32
      %dma_start3A_25 = tpu.memref_slice %arg3[%dma_start3A_23, %dma_start3A_24] : memref<100000x1024xf32, #tpu.memory_space<any>> -> memref<1696x1024xf32, #tpu.memory_space<any>>
      %dma_start3A_26 = arith.constant 0 : i32
      %dma_start3A_27 = arith.constant 0 : i32
      %dma_start3A_28 = tpu.memref_slice %arg4[%rem3A_0, %dma_start3A_26, %dma_start3A_27] : memref<3x4096x1024xf32, #tpu.memory_space<vmem>> -> memref<1x1696x1024xf32, #tpu.memory_space<vmem>>
      %dma_start3A_29 = tpu.memref_squeeze %dma_start3A_28 : memref<1x1696x1024xf32, #tpu.memory_space<vmem>> -> memref<1696x1024xf32, #tpu.memory_space<vmem>>
      tpu.enqueue_dma source(%dma_start3A_29 : memref<1696x1024xf32, #tpu.memory_space<vmem>>) target(%dma_start3A_25 : memref<1696x1024xf32, #tpu.memory_space<any>>) target_semaphore(%dma_start3A_22 : memref<!tpu.dma_semaphore, #tpu.memory_space<semaphore_mem>>)
      %sub3A = arith.constant 2 : i32
      %sub3A_30 = arith.subi %arg0, %sub3A : i32
      %rem3A_31 = arith.constant 3 : i32
      %rem3A_32 = arith.remsi %sub3A_30, %rem3A_31 : i32
      %mul3A = arith.constant 4096 : i32
      %mul3A_33 = arith.muli %sub3A_30, %mul3A : i32
      %dma_wait3A = tpu.memref_slice %arg5[%rem3A_32] : memref<3x!tpu.dma_semaphore, #tpu.memory_space<semaphore_mem>> -> memref<1x!tpu.dma_semaphore, #tpu.memory_space<semaphore_mem>>
      %dma_wait3A_34 = tpu.memref_squeeze %dma_wait3A : memref<1x!tpu.dma_semaphore, #tpu.memory_space<semaphore_mem>> -> memref<!tpu.dma_semaphore, #tpu.memory_space<semaphore_mem>>
      %dma_wait3A_35 = arith.constant 0 : i32
      %dma_wait3A_36 = tpu.memref_slice %arg3[%mul3A_33, %dma_wait3A_35] : memref<100000x1024xf32, #tpu.memory_space<any>> -> memref<4096x1024xf32, #tpu.memory_space<any>>
      %dma_wait3A_37 = arith.constant 0 : i32
      %dma_wait3A_38 = arith.constant 0 : i32
      %dma_wait3A_39 = tpu.memref_slice %arg4[%rem3A_32, %dma_wait3A_37, %dma_wait3A_38] : memref<3x4096x1024xf32, #tpu.memory_space<vmem>> -> memref<1x4096x1024xf32, #tpu.memory_space<vmem>>
      %dma_wait3A_40 = tpu.memref_squeeze %dma_wait3A_39 : memref<1x4096x1024xf32, #tpu.memory_space<vmem>> -> memref<4096x1024xf32, #tpu.memory_space<vmem>>
      tpu.wait_dma2 semaphore(%dma_wait3A_34 : memref<!tpu.dma_semaphore, #tpu.memory_space<semaphore_mem>>) src(%dma_wait3A_40 : memref<4096x1024xf32, #tpu.memory_space<vmem>>) dst(%dma_wait3A_36 : memref<4096x1024xf32, #tpu.memory_space<any>>)
      %sub3A_41 = arith.constant 1 : i32
      %sub3A_42 = arith.subi %arg0, %sub3A_41 : i32
      %rem3A_43 = arith.constant 3 : i32
      %rem3A_44 = arith.remsi %sub3A_42, %rem3A_43 : i32
      %mul3A_45 = arith.constant 4096 : i32
      %mul3A_46 = arith.muli %sub3A_42, %mul3A_45 : i32
      %dma_wait3A_47 = tpu.memref_slice %arg5[%rem3A_44] : memref<3x!tpu.dma_semaphore, #tpu.memory_space<semaphore_mem>> -> memref<1x!tpu.dma_semaphore, #tpu.memory_space<semaphore_mem>>
      %dma_wait3A_48 = tpu.memref_squeeze %dma_wait3A_47 : memref<1x!tpu.dma_semaphore, #tpu.memory_space<semaphore_mem>> -> memref<!tpu.dma_semaphore, #tpu.memory_space<semaphore_mem>>
      %dma_wait3A_49 = arith.constant 0 : i32
      %dma_wait3A_50 = tpu.memref_slice %arg3[%mul3A_46, %dma_wait3A_49] : memref<100000x1024xf32, #tpu.memory_space<any>> -> memref<4096x1024xf32, #tpu.memory_space<any>>
      %dma_wait3A_51 = arith.constant 0 : i32
      %dma_wait3A_52 = arith.constant 0 : i32
      %dma_wait3A_53 = tpu.memref_slice %arg4[%rem3A_44, %dma_wait3A_51, %dma_wait3A_52] : memref<3x4096x1024xf32, #tpu.memory_space<vmem>> -> memref<1x4096x1024xf32, #tpu.memory_space<vmem>>
      %dma_wait3A_54 = tpu.memref_squeeze %dma_wait3A_53 : memref<1x4096x1024xf32, #tpu.memory_space<vmem>> -> memref<4096x1024xf32, #tpu.memory_space<vmem>>
      tpu.wait_dma2 semaphore(%dma_wait3A_48 : memref<!tpu.dma_semaphore, #tpu.memory_space<semaphore_mem>>) src(%dma_wait3A_54 : memref<4096x1024xf32, #tpu.memory_space<vmem>>) dst(%dma_wait3A_50 : memref<4096x1024xf32, #tpu.memory_space<any>>)
      %dma_wait3A_55 = tpu.memref_slice %arg5[%rem3A_0] : memref<3x!tpu.dma_semaphore, #tpu.memory_space<semaphore_mem>> -> memref<1x!tpu.dma_semaphore, #tpu.memory_space<semaphore_mem>>
      %dma_wait3A_56 = tpu.memref_squeeze %dma_wait3A_55 : memref<1x!tpu.dma_semaphore, #tpu.memory_space<semaphore_mem>> -> memref<!tpu.dma_semaphore, #tpu.memory_space<semaphore_mem>>
      %dma_wait3A_57 = arith.constant 98304 : i32
      %dma_wait3A_58 = arith.constant 0 : i32
      %dma_wait3A_59 = tpu.memref_slice %arg3[%dma_wait3A_57, %dma_wait3A_58] : memref<100000x1024xf32, #tpu.memory_space<any>> -> memref<1696x1024xf32, #tpu.memory_space<any>>
      %dma_wait3A_60 = arith.constant 0 : i32
      %dma_wait3A_61 = arith.constant 0 : i32
      %dma_wait3A_62 = tpu.memref_slice %arg4[%rem3A_0, %dma_wait3A_60, %dma_wait3A_61] : memref<3x4096x1024xf32, #tpu.memory_space<vmem>> -> memref<1x1696x1024xf32, #tpu.memory_space<vmem>>
      %dma_wait3A_63 = tpu.memref_squeeze %dma_wait3A_62 : memref<1x1696x1024xf32, #tpu.memory_space<vmem>> -> memref<1696x1024xf32, #tpu.memory_space<vmem>>
      tpu.wait_dma2 semaphore(%dma_wait3A_56 : memref<!tpu.dma_semaphore, #tpu.memory_space<semaphore_mem>>) src(%dma_wait3A_63 : memref<1696x1024xf32, #tpu.memory_space<vmem>>) dst(%dma_wait3A_59 : memref<1696x1024xf32, #tpu.memory_space<any>>)
    } else {
    }
    return
  }
  func.func @transform_0(%arg0: i32) -> (i32, i32) {
    %c0_i32 = arith.constant 0 : i32
    %c0_i32_0 = arith.constant 0 : i32
    %c0_i32_1 = arith.constant 0 : i32
    return %c0_i32, %c0_i32_0 : i32, i32
  }
  func.func @transform_1(%arg0: i32) -> (i32, i32) {
    %c0_i32 = arith.constant 0 : i32
    %c0_i32_0 = arith.constant 0 : i32
    return %c0_i32, %arg0 : i32, i32
  }
}

</mosaic_0001>

<sc_bundles>
// kernel: kernel.4.cloned.1.call-start
scs
__scs_entry_jumppad:
0x0: {  	(pc) =	sbr.rel $0x88, $3  }
0x1: {  	(tag) =	ssettag $0x0;
	lr =	simm.s32 $0x1  }
0x2: {  	[smem:$0x3F9D] =	sst lr;
	_ =	strace $0xD0000000  }
0x3: {  	_ = 	snop  }
0x4: {  	_ = 	snop  }
0x5: {  	_ = 	snop  }
0x6: {  	_ = 	snop  }
0x7: {  	_ = 	snop  }
__scs_overlays_trampoline_lowered:
0x8: {  	[smem:$0x3FAC] =	sst s0  }
0x9: {  	[smem:$0x3FAD] =	sst s1  }
0xa: {  	[smem:$0x3FAE] =	sst s2  }
0xb: {  	[smem:$0x3FAF] =	sst s3  }
0xc: {  	[smem:$0x3FB0] =	sst s4  }
0xd: {  	[smem:$0x3FB1] =	sst s5  }
0xe: {  	[smem:$0x3FB2] =	sst s6  }
0xf: {  	[smem:$0x3FB3] =	sst s7  }
0x10: {  	[smem:$0x3FB4] =	sst s8  }
0x11: {  	[smem:$0x3FB5] =	sst s9;
	s0 =	simm.s32 @!p0 $0x0  }
0x12: {  	s1 =	sld [smem:$0x3F9B];
	s0 =	simm.s32 @p0 $0x1  }
0x13: {  	[smem:$0x3FB6] =	sst s0;
	s0 =	simm.s32 @!p1 $0x0  }
0x14: {  	s2 =	sld [smem:$0x3F9A];
	s0 =	simm.s32 @p1 $0x1  }
0x15: {  	[smem:$0x3FB7] =	sst s0;
	s0 =	simm.s32 @!p2 $0x0  }
0x16: {  	s3 =	sld [smem:$0x3FDB];
	s0 =	simm.s32 @p2 $0x1  }
0x17: {  	s4 =	simm.s32 $0x1BF5;
	[smem:$0x3FB9] =	sst s0  }
0x18: {  	s0 =	sld [smem:$0x3F9C];
	_ =	swait.ge [sflag:s4], $0x0  }
0x19: {  	s7 =	sld [smem:$0x3F9D]  }
0x1a: {  	s8 =	sadd.s32 $0xFFFFE003, lr  }
0x1b: {  	s9 =	sadd.s32 $0xFFFFFEF7, lr;
	s5 =	simm.s32 $0xFFFFFFFF;
	p2 =	slt.u32 s8, $0xFFFFF086  }
0x1c: {  	p1 =	slt.u32 s9, $0xF7A;
	s5 =	simm.s32 @!p2 $0x0  }
0x1d: {  	s5 =	simm.s32 @p1 $0x1;
	p0 =	seq.s32 s7, s2  }
0x1e: {  	s7 =	smul.u32 @!p0 $0xF7A, s2;
	p2 =	seq.s32 @!p0 s5, $0x0  }
0x1f: {  	s9 =	smul.u32 $0xF7A, s1;
	s8 =	simm.s32 @!p0 $0x1BF5;
	p2 =	por !p2, p0  }
0x20: {  	[sflag:s8] =	ssyncset.s32 @!p0 $0xFFFFF086;
	s6 =	sadd.s32 @!p0 s3, s7;
	s7 =	simm.s32 @!p0 $0x108  }
0x21: {  	s3 =	sadd.s32 s3, s9;
	s6 =	sadd.s32 @!p0 $0x88, s6;
	s7 =	simm.s32 @p2 $0x1082  }
0x22: {  	[simem:s7], [sflag:s8] =	dma.local @!p0 [hbm:s6], $0xF7A  }
0x23: {  	s9 =	sor.u32 $0xD0000000, s2;
	s6 =	simm.s32 $0x108;
	_ =	swait.ge @!p0 [sflag:s8], $0x0  }
0x24: {  	s3 =	sadd.s32 $0x88, s3;
	s6 =	simm.s32 @!p1 $0x1082;
	[sflag:s4] =	ssyncset.s32 $0xFFFFF086  }
0x25: {  	[simem:s6], [sflag:s4] =	dma.local [hbm:s3], $0xF7A  }
0x26: {  	[smem:$0x3F9D] =	sst s1;
	(tag) =	ssettag s2;
	_ =	strace s9  }
0x27: {  	s1 =	sld [smem:$0x3FAD]  }
0x28: {  	s2 =	sld [smem:$0x3FAE]  }
0x29: {  	s4 =	sld [smem:$0x3FB0]  }
0x2a: {  	p0 =	seq.s32 s5, $0x0;
	s5 =	sld [smem:$0x3FB1]  }
0x2b: {  	s6 =	sld [smem:$0x3FB2]  }
0x2c: {  	s7 =	sld [smem:$0x3FB3]  }
0x2d: {  	s3 =	simm.s32 $0x108;
	s8 =	sld [smem:$0x3FB4]  }
0x2e: {  	s3 =	simm.s32 @!p0 $0x1082;
	s9 =	sld [smem:$0x3FB5]  }
0x2f: {  	lr =	sadd.s32 s0, s3;
	s0 =	sld [smem:$0x3FAC]  }
0x30: {  	s3 =	sld [smem:$0x3FAF]  }
0x31: {  	[smem:$0x3FB8] =	sst s10  }
0x32: {  	s10 =	sld [smem:$0x3FB6];
	_ =	sdelay $0x3  }
0x33: {  	p0 =	seq.s32 s10, $0x1;
	s10 =	sld [smem:$0x3FB8];
	_ =	sdelay $0x3  }
0x34: {  	[smem:$0x3FB8] =	sst s10  }
0x35: {  	s10 =	sld [smem:$0x3FB7];
	_ =	sdelay $0x3  }
0x36: {  	p1 =	seq.s32 s10, $0x1;
	s10 =	sld [smem:$0x3FB8];
	_ =	sdelay $0x3  }
0x37: {  	[smem:$0x3FB8] =	sst s10  }
0x38: {  	s10 =	sld [smem:$0x3FB9]  }
0x39: {  	_ = 	snop;
	(pc) =	sbr.ind lr, $3  }
0x3a: {  	_ = 	snop  }
0x3b: {  	_ = 	snop  }
0x3c: {  	p2 =	seq.s32 s10, $0x1;
	s10 =	sld [smem:$0x3FB8]  }
0x3d: {  	_ =	shalt  }
0x3e: {  	_ =	shalt  }
0x3f: {  	_ =	shalt  }
0x40: {  	_ =	shalt  }
0x41: {  	_ =	shalt  }
0x42: {  	_ =	shalt  }
0x43: {  	_ =	shalt  }
0x44: {  	_ =	shalt  }
0x45: {  	_ =	shalt  }
0x46: {  	_ =	shalt  }
0x47: {  	_ =	shalt  }
0x48: {  	_ =	shalt  }
0x49: {  	_ =	shalt  }
0x4a: {  	_ =	shalt  }
0x4b: {  	_ =	shalt  }
0x4c: {  	_ =	shalt  }
0x4d: {  	_ =	shalt  }
0x4e: {  	_ =	shalt  }
0x4f: {  	_ =	shalt  }
0x50: {  	_ =	shalt  }
0x51: {  	_ =	shalt  }
0x52: {  	_ =	shalt  }
0x53: {  	_ =	shalt  }
0x54: {  	_ =	shalt  }
0x55: {  	_ =	shalt  }
0x56: {  	_ =	shalt  }
0x57: {  	_ =	shalt  }
0x58: {  	_ =	shalt  }
0x59: {  	_ =	shalt  }
0x5a: {  	_ =	shalt  }
0x5b: {  	_ =	shalt  }
0x5c: {  	_ =	shalt  }
0x5d: {  	_ =	shalt  }
0x5e: {  	_ =	shalt  }
0x5f: {  	_ =	shalt  }
0x60: {  	_ =	shalt  }
0x61: {  	_ =	shalt  }
0x62: {  	_ =	shalt  }
0x63: {  	_ =	shalt  }
0x64: {  	_ =	shalt  }
0x65: {  	_ =	shalt  }
0x66: {  	_ =	shalt  }
0x67: {  	_ =	shalt  }
0x68: {  	_ =	shalt  }
0x69: {  	_ =	shalt  }
0x6a: {  	_ =	shalt  }
0x6b: {  	_ =	shalt  }
0x6c: {  	_ =	shalt  }
0x6d: {  	_ =	shalt  }
0x6e: {  	_ =	shalt  }
0x6f: {  	_ =	shalt  }
0x70: {  	_ =	shalt  }
0x71: {  	_ =	shalt  }
0x72: {  	_ =	shalt  }
0x73: {  	_ =	shalt  }
0x74: {  	_ =	shalt  }
0x75: {  	_ =	shalt  }
0x76: {  	_ =	shalt  }
0x77: {  	_ =	shalt  }
0x78: {  	_ =	shalt  }
0x79: {  	_ =	shalt  }
0x7a: {  	_ =	shalt  }
0x7b: {  	_ =	shalt  }
0x7c: {  	_ =	shalt  }
0x7d: {  	_ =	shalt  }
0x7e: {  	_ =	shalt  }
0x7f: {  	_ =	shalt  }
0x80: {  	_ =	shalt  }
0x81: {  	_ =	shalt  }
0x82: {  	_ =	shalt  }
0x83: {  	_ =	shalt  }
0x84: {  	_ =	shalt  }
0x85: {  	_ =	shalt  }
0x86: {  	_ =	shalt  }
0x87: {  	_ =	shalt  }
.Lfunc_end0:
.L_simem_size_0:
called_computation_lowered:
.L_overlay_start_0:
0x88: {  	s2 =	sld [smem:$0x3FD9]  }
0x89: {  	s3 =	sld [smem:$0x3FFE];
	_ =	sdelay $0x1  }
0x8a: {  	s1 =	srdreg.scid  }
0x8b: {  	s0 =	sand.u32 $0x1, s1  }
0x8c: {  	s17 =	sshll.u32 s0, $0xA;
	s2 =	sadd.s32 s3, s2  }
0x8d: {  	s2 =	sadd.s32 s2, s17  }
0x8e: {  	[smem:$0x3FC4] =	sst s2  }
0x8f: {  	_ = 	snop  }
0x90: {  	s2 =	sld [smem:$0x3FD0];
	(tm) =	ssettm $0x1  }
0x91: {  	s18 =	sld [smem:$0x3FFB];
	_ =	sdelay $0x3  }
0x92: {  	_ =	strace s18  }
0x93: {  	s3 =	sld [smem:$0x3FFC];
	_ =	sdelay $0x3  }
0x94: {  	_ =	strace s3  }
0x95: {  	s3 =	sld [smem:$0x3FFD];
	_ =	sdelay $0x3  }
0x96: {  	_ =	strace s3  }
0x97: {  	_ =	strace $0x8FFFFFFF  }
0x98: {  	s19 =	sld [smem:$0x3FDB];
	_ =	sdelay $0x1  }
0x99: {  	s4 =	simm.s32 $_scs_section_size  }
0x9a: {  	s5 =	simm.s32 $_size__tile_overlayer_lowered;
	s6 =	simm.s32 $_tile_overlayer_lowered  }
0x9b: {  	s22 =	simm.s32 $0x1BFF;
	s21 =	sshll.u32 s6, $0x1;
	s3 =	sadd.s32 s4, s19  }
0x9c: {  	s7 =	simm.s32 $0x0;
	s20 =	sshll.u32 s5, $0x1;
	s5 =	sadd.s32 s21, s3  }
0x9d: {  	[timem:s7], [sflag:s22] =	dma.local [hbm:s5], s20  }
0x9e: {  	_ =	swait.ge [sflag:s22], s20  }
0x9f: {  	s4 =	ssub.s32 $0x0, s20;
	[sflag:s22] =	ssyncset.done $0x0  }
0xa0: {  	[sflag:s22] =	ssyncadd.s32 s4;
	_ =	sdelay $0x1  }
0xa1: {  	s23 =	simm.s32 $0x1B8B  }
0xa2: {  	_ =	swait.ge [sflag:s23], $0x1  }
0xa3: {  	[sflag:s23] =	ssyncset.done $0x0  }
0xa4: {  	s25 =	simm.s32 $0x1B8E;
	s24 =	sld [smem:$0x3FFE];
	[sflag:s23] =	ssyncadd.s32 $0xFFFFFFFF  }
0xa5: {  	s26 =	simm.s32 $execute0_lowered;
	[smem:$0x3FD2] =	sst s25  }
0xa6: {  	s5 =	sshll.u32 s26, $0x1;
	_ =	strace $0x80000046;
	[dreg:$0x1] =	wrdreg $0xFFFFFFFF  }
0xa7: {  	s28 =	simm.s32 $_size_execute0_lowered;
	s3 =	sadd.s32 s3, s5;
	[dreg:$0x0] =	wrdreg $0x0  }
0xa8: {  	s5 =	sshll.u32 s28, $0x1;
	[dreg:$0x2] =	wrdreg s3  }
0xa9: {  	[dreg:$0x3] =	wrdreg s5  }
0xaa: {  	[dreg:$0x4] =	wrdreg $0xC0  }
0xab: {  	_ =	task [dreg:s7], $0x5FFFF  }
0xac: {  	[dreg:$0x1] =	wrdreg $0xFFFFFFFF  }
0xad: {  	[dreg:$0x0] =	wrdreg $0x60  }
0xae: {  	[dreg:$0x2] =	wrdreg s24  }
0xaf: {  	[dreg:$0x3] =	wrdreg s2  }
0xb0: {  	[dreg:$0x4] =	wrdreg $0x9  }
0xb1: {  	_ =	task.clear_ibuf [dreg:s7], $0x5FFFF;
	_ =	strace $0x90000046  }
0xb2: {  	s29 =	simm.s32 $0x9;
	_ =	strace $0x80000048  }
0xb3: {  	_ =	swait.ge [sflag:s29], $0x1  }
0xb4: {  	[sflag:s29] =	ssyncadd.s32 $0xFFFFFFFF  }
0xb5: {  	_ =	strace $0x90000048  }
0xb6: {  	_ =	sfence  }
0xb7: {  	s30 =	sld [smem:$0x0];
	_ =	sdelay $0x2  }
0xb8: {  	s31 =	sshll.u32 s1, $0xD;
	s1 =	sshrl.u32 s1, $0x2  }
0xb9: {  	s3 =	sand.u32 $0x4000, s31;
	s1 =	sadd.s32 s1, s30  }
0xba: {  	s0 =	sor.u32 s3, s0;
	s1 =	sshll.u32 s1, $0x11  }
0xbb: {  	s0 =	sor.u32 s1, s0  }
0xbc: {  	s0 =	sadd.s32 $0x8F2B, s0  }
0xbd: {  	[sflag:s0] =	ssyncadd.remote.s32 $0x1  }
0xbe: {  	_ =	sfence.sel $0xFFFF  }
0xbf: {  	[dreg:$0x0] =	wrdreg $0xFFFFFFFF;
	(pc) =	sbr.abs _section_cstart, $3  }
0xc0: {  	[dreg:$0x1] =	wrdreg $0xFFFFFFFF  }
0xc1: {  	_ =	task.clear_ibuf [dreg:s7], $0x2FFFF;
	_ =	strace $0x9FFFFFFF  }
0xc2: {  	(tm) =	ssettm $0x7FFFFFFF  }
0xc3: {  	_ =	shalt  }
tec
execute0_lowered:
.L_overlay_start_1:
0x0: {  	(tag) =	ssettag $0x1  }
0x1: {  	s4 =	rddreg [dreg:$0x0]  }
0x2: {  	s1 =	srdreg.scid;
	s0 =	stileid.u32  }
0x3: {  	s6 =	rddreg [dreg:$0x1];
	s2 =	simm.s32 $0x0;
	s10 =	simm.s32 $0x1  }
0x4: {  	s11 =	simm.s32 $0xCE40;
	s5 =	sand.u32 $0x1, s1;
	s3 =	sshll.u32 s0, $0x1  }
0x5: {  	s12 =	simm.s32 $0x0;
	s1 =	rddreg [dreg:$0x2];
	s7 =	sor.u32 s5, s3  }
0x6: {  	[smem:$0x7FF] =	sst s2;
	s5 =	ssub.s32 $0x2, s5;
	s3 =	smul.u32 $0xC8, s7  }
0x7: {  	_ =	strace $0x80000047;
	s9 =	sshrl.u32 s5, $0x1;
	s7 =	sshll.u32 s7, $0x7  }
0x8: {  	s9 =	ssub.s32 s5, s9;
	s6 =	sadd.s32 s6, s7;
	s8 =	sadd.s32 s3, s4  }
0x9: {  	s3 =	sadd.s32 $0x3000, s4;
	s4 =	sadd.s32 $0x64C00, s4;
	s7 =	smax.u32 s9, $0x1  }
0xa: {  	s9 =	simm.s32 $0x2;
	s5 =	sadd.s32 $0x1600, s8;
	s8 =	simm.s32 $0xD240  }
.LBB2_1:
0xb: {  	[tilespmem:s8], [sflag:$0x2] =	stream.linear.gather [hbm4b:s4+s2], $0x1, $0x38;
	[tilespmem:$0xD250] =	vst v63  }
0xc: {  	_ =	swait.ge [sflag:s9], $0x1  }
0xd: {  	[sflag:s9] =	ssyncset.done $0x0  }
0xe: {  	[sflag:s9] =	ssyncadd.s32 $0xFFFFFFFF  }
0xf: {  	v0 =	vld.msk [tilespmem:$0xD240 ss:$0x0], $0xffff;
	[tilespmem:s2], [sflag:$0x2] =	stream.linear.gather [hbm4b:s5+s2], $0x640, $0x38  }
0x10: {  	_ =	swait.ge [sflag:s9], $0x640  }
0x11: {  	[sflag:s9] =	ssyncset.done $0x0  }
0x12: {  	s13 =	simm.s32 $0x640;
	[sflag:s9] =	ssyncadd.s32 $0xFFFFF9C0  }
0x13: {  	[tilespmem:s13], [sflag:$0x1] =	stream.indirect.gather [hbm4b:s3+s13], $0x20, s2, s13, $0xb8;
	[tilespmem:$0xD250] =	vst v63  }
0x14: {  	_ =	swait.ge [sflag:s10], $0xC800  }
0x15: {  	[sflag:s10] =	ssyncset.done $0x0  }
0x16: {  	s14 =	simm.s32 $0x0;
	[sflag:s10] =	ssyncadd.s32 $0xFFFF3800  }
.LBB2_2:
0x17: {  	v1 =	vmov s13;
	_ =	sdelay $0x3  }
0x18: {  	s16 =	simm.s32 $0x0  }
0x19: {  	v3 =	vld.idx.msk [tilespmem:v1+s16+$0x10 ss:$0x1], $0xffff  }
0x1a: {  	v2 =	vimm.f32 $0.0e+00;
	s15 =	simm.s32 $0x80;
	v4 =	vimm.f32 $0.0e+00;
	v5 =	vld.idx.msk [tilespmem:v1+s16+$0x0 ss:$0x1], $0xffff  }
.LBB2_3:
0x1b: {  	p0 =	sne.s32 s15, $0x1880  }
.Ltmp0:
0x1c: {  	_ = 	snop;
	(pc) =	sbr.rel @p0 .LBB2_3-.Ltmp0, $4  }
0x1d: {  	_ = 	snop  }
0x1e: {  	s16 =	sshra.s32 s15, $0x2;
	s15 =	sadd.s32 $0x80, s15  }
0x1f: {  	v2 =	vadd.f32 v3, v2;
	v3 =	vld.idx.msk [tilespmem:v1+s16+$0x10 ss:$0x1], $0xffff  }
0x20: {  	v4 =	vadd.f32 v5, v4;
	v5 =	vld.idx.msk [tilespmem:v1+s16+$0x0 ss:$0x1], $0xffff  }
0x21: {  	_ =	sdelay $0x1  }
0x22: {  	s15 =	sshll.u32 s14, $0x5;
	s14 =	sadd.s32 $0x1, s14  }
0x23: {  	p0 =	sne.s32 s14, $0x20;
	v2 =	vadd.f32 v3, v2  }
.Ltmp1:
0x24: {  	v1 =	vadd.f32 v5, v4;
	(pc) =	sbr.rel @p0 .LBB2_2-.Ltmp1, $4  }
0x25: {  	v2 =	vmul.f32 v2, v0  }
0x26: {  	s15 =	sand.u32 $0x3FFFFFE0, s15;
	v1 =	vmul.f32 v1, v0  }
0x27: {  	[tilespmem:s15+$0xCE50] =	vst v2  }
0x28: {  	s13 =	sadd.s32 $0x640, s13;
	[tilespmem:s15+$0xCE40] =	vst v1  }
0x29: {  	s12 =	sadd.s32 $0x1, s12  }
0x2a: {  	p0 =	sne.s32 s12, s7  }
.Ltmp2:
0x2b: {  	_ = 	snop;
	(pc) =	sbr.rel @p0 .LBB2_1-.Ltmp2, $4  }
0x2c: {  	[hbm4b:s6+s2] =	stream.linear.scatter [tilespmem:s11], [sflag:$0x2], $0x400, $0x38;
	[tilespmem:$0xD250] =	vst v63  }
0x2d: {  	_ =	swait.ge [sflag:s9], $0x400  }
0x2e: {  	[sflag:s9] =	ssyncset.done $0x0  }
0x2f: {  	[sflag:s9] =	ssyncadd.s32 $0xFFFFFC00  }
0x30: {  	_ =	sfence.sel $0x180000  }
0x31: {  	[bflag:$0x0] =	sbarrier.arrive $0xFFFF  }
0x32: {  	p0 =	sne.s32 s0, $0x0;
	_ =	strace $0x90000047  }
0x33: {  	s0 =	sadd.s32 @!p0 $0x100000, s1;
	[bflag:$0x2] =	sbarrier.arrive $0xFFFF  }
0x34: {  	[sflag:s0] =	ssyncadd.tile.s32 @!p0 $0x1;
	_ =	shalt  }
.Lfunc_end2:
_tile_overlayer_lowered:
.L_overlay_start_2:
0x35: {  	(tag) =	ssettag $0x2  }
0x36: {  	s0 =	rddreg [dreg:$0x0];
	s2 =	stileid.u32  }
0x37: {  	s1 =	rddreg [dreg:$0x1];
	p0 =	sne.s32 s2, $0x0  }
0x38: {  	s3 =	rddreg [dreg:$0x2];
	[bflag:$0x3] =	sbarrier.arrive $0xFFFF;
	s2 =	simm.s32 @!p0 $0x1C02  }
0x39: {  	[timem:s3], [sflag:s2] =	dma.local @!p0 [hbm:s0], s1  }
0x3a: {  	s0 =	simm.s32 @!p0 $0x2  }
0x3b: {  	_ =	swait.ge @!p0 [sflag:s0], s1  }
0x3c: {  	s1 =	ssub.s32 @!p0 $0x0, s1;
	[sflag:s0] =	ssyncset.done @!p0 $0x0  }
0x3d: {  	[sflag:s0] =	ssyncadd.s32 @!p0 s1  }
0x3e: {  	[bflag:$0x3] =	sbarrier.arrive $0xFFFF  }
0x3f: {  	_ =	shalt  }

</sc_bundles>
